<compile_context>
chip_gen: v7x
topology: tpu7x:2x2x1
jax: 0.10.2.dev20260603
libtpu: 0.0.44.dev20260713+nightly
codegen_flags: <defaults>
</compile_context>

<pallas_src>
import functools

import numpy as np
import jax
import jax.numpy as jnp
from jax import lax
from jax.experimental import pallas as pl
from jax.experimental.pallas import tpu as pltpu
from jax.experimental.pallas import tpu_sc as plsc

_BINS = 10
_MOM = np.float32(0.75)
_NC, _NS = 2, 16
_NW = _NC * _NS


def _sc_gather(flat, idx3):
    nw, ch, lanes = idx3.shape
    mesh = plsc.VectorSubcoreMesh(core_axis_name="c", subcore_axis_name="s",
                                  num_cores=_NC, num_subcores=_NS)

    @functools.partial(
        pl.kernel, mesh=mesh,
        out_type=jax.ShapeDtypeStruct((nw, ch, lanes), jnp.float32),
        scratch_types=[
            pltpu.VMEM((ch, lanes), jnp.int32),
            pltpu.VMEM((ch, lanes), jnp.float32),
            pltpu.SemaphoreType.DMA,
        ],
    )
    def _g(flat_hbm, idx_hbm, out_hbm, idx_v, val_v, sem):
        wid = lax.axis_index("s") * _NC + lax.axis_index("c")
        pltpu.sync_copy(idx_hbm.at[wid], idx_v)
        cps = [pltpu.async_copy(flat_hbm.at[idx_v.at[j]], val_v.at[j], sem)
               for j in range(ch)]
        for cp in cps:
            cp.wait()
        pltpu.sync_copy(val_v, out_hbm.at[wid])

    return _g(flat, idx3)


def _stats_body(logits_ref, s_ref, *, rows):
    x = logits_ref[...]
    m = jnp.max(x, axis=1)
    e = jnp.exp(x - m[:, None])
    z = jnp.sum(e, axis=1)
    s_ref[...] = (m + jnp.log(z)).reshape(1, 1, rows)


def _finish_body(s_ref, xl_ref, acc_ref, out_ref, *, total, n_elems):
    s2 = s_ref[...]
    xl2 = xl_ref[...]
    u = xl2 - s2
    ce = -u
    g = np.float32(1) - jnp.exp(u)
    binv = jnp.zeros(g.shape, jnp.int32)
    for j in range(_BINS):
        binv = binv + (g > np.float32(j) / np.float32(10)).astype(jnp.int32)
    w = jnp.zeros(g.shape, jnp.float32)
    for k in range(_BINS):
        mk = binv == k
        c_k = jnp.sum(mk.astype(jnp.float32))
        a_k = acc_ref[k]
        a_new = jnp.where(c_k > 0, _MOM * a_k + (np.float32(1) - _MOM) * c_k, a_k)
        w_k = jnp.where(c_k > 0, total / a_new, np.float32(0))
        w = w + jnp.where(mk, w_k, np.float32(0))
    wsum = jnp.sum(w)
    loss = jnp.sum(ce * w)
    out_ref[...] = jnp.reshape(loss / wsum * (total / n_elems), (1, 1))


def kernel(logits, labels, acc_sum):
    n, c = logits.shape
    rows = 512
    nblk = n // rows
    bpw = n // _NW
    ch = bpw // 128

    flat = logits.reshape(-1)
    idx3 = (jnp.arange(n, dtype=jnp.int32) * c + labels).reshape(_NW, ch, 128)
    xl = _sc_gather(flat, idx3)

    s = pl.pallas_call(
        functools.partial(_stats_body, rows=rows),
        grid=(nblk,),
        in_specs=[pl.BlockSpec((rows, c), lambda i: (i, 0))],
        out_specs=pl.BlockSpec((1, 1, rows), lambda i: (i, 0, 0)),
        out_shape=jax.ShapeDtypeStruct((nblk, 1, rows), jnp.float32),
        compiler_params=pltpu.CompilerParams(dimension_semantics=("arbitrary",)),
    )(logits)

    total = np.float32(n)
    side = 128
    out = pl.pallas_call(
        functools.partial(_finish_body, total=total, n_elems=np.float32(n)),
        in_specs=[
            pl.BlockSpec((side, n // side), lambda: (0, 0)),
            pl.BlockSpec((side, n // side), lambda: (0, 0)),
            pl.BlockSpec(memory_space=pltpu.SMEM),
        ],
        out_specs=pl.BlockSpec((1, 1), lambda: (0, 0)),
        out_shape=jax.ShapeDtypeStruct((1, 1), jnp.float32),
    )(s.reshape(side, n // side), xl.reshape(side, n // side), acc_sum)
    return out[0, 0]

# --- scband reference (transcript-rebuilt; emitter-appended) ---
"""Pipeline reference for scband-ghmloss-5317169513087 (READ-ONLY COPY).

The authoritative reference and input builder live on the scoring server;
editing this copy changes nothing except your own understanding.
"""

import jax, jax.numpy as jnp
import numpy as np

BINS = 10
MOMENTUM = 0.75


def setup_inputs(seed: int = 0) -> dict:
    key = jax.random.key(seed)
    k1, k2 = jax.random.split(key)
    logits = jax.random.normal(k1, (16384, 1000), dtype=jnp.float32)
    labels = jax.random.randint(k2, (16384,), 0, 1000, dtype=jnp.int32)
    acc_sum = jnp.zeros((BINS,), dtype=jnp.float32)
    return {"logits": logits, "labels": labels, "acc_sum": acc_sum}


def reference(logits, labels, acc_sum):
    # edges = arange(bins+1)/bins, edges[-1] += 1e-6
    edges = jnp.arange(BINS + 1, dtype=jnp.float32) / BINS
    edges = edges.at[-1].add(1e-6)

    N = logits.shape[0]
    probs = jax.nn.softmax(logits, axis=1)
    correct_probs = probs[jnp.arange(N), labels]
    g = jax.lax.stop_gradient(1.0 - correct_probs)  # .detach() in torch

    valid = labels >= 0
    total_valid = jnp.sum(valid).astype(jnp.float32)

    # torch.bucketize(g, edges) with right=False == searchsorted side='left'
    bin_indices = jnp.searchsorted(edges, g, side='left')

    # per-bin valid counts (invalid elements routed to overflow slot BINS)
    safe_idx = jnp.where(valid, bin_indices, BINS)
    counts = jnp.bincount(safe_idx, length=BINS + 1)[:BINS].astype(jnp.float32)

    # momentum > 0 branch: acc_sum updated only for non-empty bins
    acc_new = jnp.where(counts > 0, MOMENTUM * acc_sum + (1.0 - MOMENTUM) * counts, acc_sum)
    w_bin = jnp.where(counts > 0, total_valid / acc_new, 0.0)
    # bin index == BINS (g == 1 overflow) never gets a weight in the torch loop
    w_bin_full = jnp.concatenate([w_bin, jnp.zeros((1,), dtype=jnp.float32)])

    weights = jnp.where(valid & (bin_indices < BINS),
                        w_bin_full[jnp.clip(bin_indices, 0, BINS)], 0.0)
    weights = weights / jnp.sum(weights) * total_valid

    logp = jax.nn.log_softmax(logits, axis=1)
    ce_loss = -logp[jnp.arange(N), labels]
    return jnp.mean(ce_loss * weights)


if False:  # reference __main__ guard neutralized (emitter)
    out = reference(**setup_inputs())
    print(out)

if __name__ == "__main__":
    import jax
    _d = setup_inputs()
    print(jax.jit(kernel)(*tuple(_d.values())))

</pallas_src>

<mosaic_0001>
#map = affine_map<(d0, d1) -> (0)>
#map1 = affine_map<(d0, d1) -> (0, 0, 0)>
module attributes {stable_mosaic.version = 14 : i64} {
  func.func @_g(%arg0: i32, %arg1: i32, %arg2: memref<16384000xf32, #tpu.memory_space<hbm>>, %arg3: memref<32x4x128xi32, #tpu.memory_space<hbm>>, %arg4: memref<32x4x128xf32, #tpu.memory_space<hbm>>, %arg5: memref<4x128xi32, #tpu.memory_space<vmem>>, %arg6: memref<4x128xf32, #tpu.memory_space<vmem>>, %arg7: memref<!tpu.dma_semaphore, #tpu.memory_space<semaphore_mem>>) attributes {dimension_semantics = [#tpu.dimension_semantics<core_parallel>, #tpu.dimension_semantics<subcore_parallel>], iteration_bounds = array<i64: 2, 16>, scalar_prefetch = 0 : i64, scratch_operands = 3 : i64, tpu.core_type = #tpu.core_type<sc_vector_subcore>, window_params = [{transform_indices = #map}, {transform_indices = #map1}, {transform_indices = #map1}]} {
    %mul3A = arith.constant 2 : i32
    %mul3A_0 = arith.muli %arg1, %mul3A : i32
    %add3A = arith.addi %mul3A_0, %arg0 : i32
    "tpu.region"() ({
      %run_scoped3A = tpu.sem_alloc : memref<!tpu.dma_semaphore, #tpu.memory_space<semaphore_mem>>
      %dma_start3A_79 = arith.constant 0 : i32
      %dma_start3A_80 = arith.constant 0 : i32
      %dma_start3A_81 = tpu.memref_slice %arg3[%add3A, %dma_start3A_79, %dma_start3A_80] : memref<32x4x128xi32, #tpu.memory_space<hbm>> -> memref<1x4x128xi32, #tpu.memory_space<hbm>>
      %dma_start3A_82 = tpu.memref_squeeze %dma_start3A_81 : memref<1x4x128xi32, #tpu.memory_space<hbm>> -> memref<4x128xi32, #tpu.memory_space<hbm>>
      %dma_start3A_83 = arith.constant 0 : i32
      %dma_start3A_84 = arith.constant 0 : i32
      %dma_start3A_85 = tpu.memref_slice %arg3[%add3A, %dma_start3A_83, %dma_start3A_84] : memref<32x4x128xi32, #tpu.memory_space<hbm>> -> memref<1x4x128xi32, #tpu.memory_space<hbm>>
      %dma_start3A_86 = tpu.memref_squeeze %dma_start3A_85 : memref<1x4x128xi32, #tpu.memory_space<hbm>> -> memref<4x128xi32, #tpu.memory_space<hbm>>
      tpu.enqueue_dma source(%dma_start3A_86 : memref<4x128xi32, #tpu.memory_space<hbm>>) target(%arg5 : memref<4x128xi32, #tpu.memory_space<vmem>>) target_semaphore(%run_scoped3A : memref<!tpu.dma_semaphore, #tpu.memory_space<semaphore_mem>>)
      %dma_wait3A_87 = arith.constant 0 : i32
      %dma_wait3A_88 = arith.constant 0 : i32
      %dma_wait3A_89 = tpu.memref_slice %arg3[%add3A, %dma_wait3A_87, %dma_wait3A_88] : memref<32x4x128xi32, #tpu.memory_space<hbm>> -> memref<1x4x128xi32, #tpu.memory_space<hbm>>
      %dma_wait3A_90 = tpu.memref_squeeze %dma_wait3A_89 : memref<1x4x128xi32, #tpu.memory_space<hbm>> -> memref<4x128xi32, #tpu.memory_space<hbm>>
      %dma_wait3A_91 = arith.constant 0 : i32
      %dma_wait3A_92 = arith.constant 0 : i32
      %dma_wait3A_93 = tpu.memref_slice %arg3[%add3A, %dma_wait3A_91, %dma_wait3A_92] : memref<32x4x128xi32, #tpu.memory_space<hbm>> -> memref<1x4x128xi32, #tpu.memory_space<hbm>>
      %dma_wait3A_94 = tpu.memref_squeeze %dma_wait3A_93 : memref<1x4x128xi32, #tpu.memory_space<hbm>> -> memref<4x128xi32, #tpu.memory_space<hbm>>
      tpu.wait_dma2 semaphore(%run_scoped3A : memref<!tpu.dma_semaphore, #tpu.memory_space<semaphore_mem>>) src(%dma_wait3A_94 : memref<4x128xi32, #tpu.memory_space<hbm>>) dst(%arg5 : memref<4x128xi32, #tpu.memory_space<vmem>>)
      tpu.yield
    }) : () -> ()
    %dma_start3A = arith.constant 0 : i32
    %dma_start3A_1 = arith.constant 0 : i32
    %dma_start3A_2 = arith.constant 0 : i32
    %dma_start3A_3 = tpu.memref_slice %arg6[%dma_start3A_1, %dma_start3A_2] : memref<4x128xf32, #tpu.memory_space<vmem>> -> memref<1x128xf32, #tpu.memory_space<vmem>>
    %dma_start3A_4 = tpu.memref_squeeze %dma_start3A_3 : memref<1x128xf32, #tpu.memory_space<vmem>> -> memref<128xf32, #tpu.memory_space<vmem>>
    %dma_start3A_5 = arith.constant 0 : i32
    %dma_start3A_6 = tpu.memref_slice %arg5[%dma_start3A, %dma_start3A_5] : memref<4x128xi32, #tpu.memory_space<vmem>> -> memref<1x128xi32, #tpu.memory_space<vmem>>
    %dma_start3A_7 = tpu.memref_squeeze %dma_start3A_6 : memref<1x128xi32, #tpu.memory_space<vmem>> -> memref<128xi32, #tpu.memory_space<vmem>>
    %dma_start3A_8 = arith.constant 0 : i32
    %dma_start3A_9 = tpu.memref_slice %arg2[%dma_start3A_8] : memref<16384000xf32, #tpu.memory_space<hbm>> -> memref<16384000xf32, #tpu.memory_space<hbm>>
    tpu.enqueue_indirect_dma source(%dma_start3A_9 : memref<16384000xf32, #tpu.memory_space<hbm>>) target(%dma_start3A_4 : memref<128xf32, #tpu.memory_space<vmem>>) offsets(%dma_start3A_7 : memref<128xi32, #tpu.memory_space<vmem>>) semaphore(%arg7 : memref<!tpu.dma_semaphore, #tpu.memory_space<semaphore_mem>>)
    %dma_start3A_10 = arith.constant 1 : i32
    %dma_start3A_11 = arith.constant 1 : i32
    %dma_start3A_12 = arith.constant 0 : i32
    %dma_start3A_13 = tpu.memref_slice %arg6[%dma_start3A_11, %dma_start3A_12] : memref<4x128xf32, #tpu.memory_space<vmem>> -> memref<1x128xf32, #tpu.memory_space<vmem>>
    %dma_start3A_14 = tpu.memref_squeeze %dma_start3A_13 : memref<1x128xf32, #tpu.memory_space<vmem>> -> memref<128xf32, #tpu.memory_space<vmem>>
    %dma_start3A_15 = arith.constant 0 : i32
    %dma_start3A_16 = tpu.memref_slice %arg5[%dma_start3A_10, %dma_start3A_15] : memref<4x128xi32, #tpu.memory_space<vmem>> -> memref<1x128xi32, #tpu.memory_space<vmem>>
    %dma_start3A_17 = tpu.memref_squeeze %dma_start3A_16 : memref<1x128xi32, #tpu.memory_space<vmem>> -> memref<128xi32, #tpu.memory_space<vmem>>
    %dma_start3A_18 = arith.constant 0 : i32
    %dma_start3A_19 = tpu.memref_slice %arg2[%dma_start3A_18] : memref<16384000xf32, #tpu.memory_space<hbm>> -> memref<16384000xf32, #tpu.memory_space<hbm>>
    tpu.enqueue_indirect_dma source(%dma_start3A_19 : memref<16384000xf32, #tpu.memory_space<hbm>>) target(%dma_start3A_14 : memref<128xf32, #tpu.memory_space<vmem>>) offsets(%dma_start3A_17 : memref<128xi32, #tpu.memory_space<vmem>>) semaphore(%arg7 : memref<!tpu.dma_semaphore, #tpu.memory_space<semaphore_mem>>)
    %dma_start3A_20 = arith.constant 2 : i32
    %dma_start3A_21 = arith.constant 2 : i32
    %dma_start3A_22 = arith.constant 0 : i32
    %dma_start3A_23 = tpu.memref_slice %arg6[%dma_start3A_21, %dma_start3A_22] : memref<4x128xf32, #tpu.memory_space<vmem>> -> memref<1x128xf32, #tpu.memory_space<vmem>>
    %dma_start3A_24 = tpu.memref_squeeze %dma_start3A_23 : memref<1x128xf32, #tpu.memory_space<vmem>> -> memref<128xf32, #tpu.memory_space<vmem>>
    %dma_start3A_25 = arith.constant 0 : i32
    %dma_start3A_26 = tpu.memref_slice %arg5[%dma_start3A_20, %dma_start3A_25] : memref<4x128xi32, #tpu.memory_space<vmem>> -> memref<1x128xi32, #tpu.memory_space<vmem>>
    %dma_start3A_27 = tpu.memref_squeeze %dma_start3A_26 : memref<1x128xi32, #tpu.memory_space<vmem>> -> memref<128xi32, #tpu.memory_space<vmem>>
    %dma_start3A_28 = arith.constant 0 : i32
    %dma_start3A_29 = tpu.memref_slice %arg2[%dma_start3A_28] : memref<16384000xf32, #tpu.memory_space<hbm>> -> memref<16384000xf32, #tpu.memory_space<hbm>>
    tpu.enqueue_indirect_dma source(%dma_start3A_29 : memref<16384000xf32, #tpu.memory_space<hbm>>) target(%dma_start3A_24 : memref<128xf32, #tpu.memory_space<vmem>>) offsets(%dma_start3A_27 : memref<128xi32, #tpu.memory_space<vmem>>) semaphore(%arg7 : memref<!tpu.dma_semaphore, #tpu.memory_space<semaphore_mem>>)
    %dma_start3A_30 = arith.constant 3 : i32
    %dma_start3A_31 = arith.constant 3 : i32
    %dma_start3A_32 = arith.constant 0 : i32
    %dma_start3A_33 = tpu.memref_slice %arg6[%dma_start3A_31, %dma_start3A_32] : memref<4x128xf32, #tpu.memory_space<vmem>> -> memref<1x128xf32, #tpu.memory_space<vmem>>
    %dma_start3A_34 = tpu.memref_squeeze %dma_start3A_33 : memref<1x128xf32, #tpu.memory_space<vmem>> -> memref<128xf32, #tpu.memory_space<vmem>>
    %dma_start3A_35 = arith.constant 0 : i32
    %dma_start3A_36 = tpu.memref_slice %arg5[%dma_start3A_30, %dma_start3A_35] : memref<4x128xi32, #tpu.memory_space<vmem>> -> memref<1x128xi32, #tpu.memory_space<vmem>>
    %dma_start3A_37 = tpu.memref_squeeze %dma_start3A_36 : memref<1x128xi32, #tpu.memory_space<vmem>> -> memref<128xi32, #tpu.memory_space<vmem>>
    %dma_start3A_38 = arith.constant 0 : i32
    %dma_start3A_39 = tpu.memref_slice %arg2[%dma_start3A_38] : memref<16384000xf32, #tpu.memory_space<hbm>> -> memref<16384000xf32, #tpu.memory_space<hbm>>
    tpu.enqueue_indirect_dma source(%dma_start3A_39 : memref<16384000xf32, #tpu.memory_space<hbm>>) target(%dma_start3A_34 : memref<128xf32, #tpu.memory_space<vmem>>) offsets(%dma_start3A_37 : memref<128xi32, #tpu.memory_space<vmem>>) semaphore(%arg7 : memref<!tpu.dma_semaphore, #tpu.memory_space<semaphore_mem>>)
    %dma_wait3A = arith.constant 0 : i32
    %dma_wait3A_40 = arith.constant 0 : i32
    %dma_wait3A_41 = arith.constant 0 : i32
    %dma_wait3A_42 = tpu.memref_slice %arg6[%dma_wait3A_40, %dma_wait3A_41] : memref<4x128xf32, #tpu.memory_space<vmem>> -> memref<1x128xf32, #tpu.memory_space<vmem>>
    %dma_wait3A_43 = tpu.memref_squeeze %dma_wait3A_42 : memref<1x128xf32, #tpu.memory_space<vmem>> -> memref<128xf32, #tpu.memory_space<vmem>>
    %dma_wait3A_44 = arith.constant 0 : i32
    %dma_wait3A_45 = tpu.memref_slice %arg5[%dma_wait3A, %dma_wait3A_44] : memref<4x128xi32, #tpu.memory_space<vmem>> -> memref<1x128xi32, #tpu.memory_space<vmem>>
    %dma_wait3A_46 = tpu.memref_squeeze %dma_wait3A_45 : memref<1x128xi32, #tpu.memory_space<vmem>> -> memref<128xi32, #tpu.memory_space<vmem>>
    %dma_wait3A_47 = arith.constant 0 : i32
    %dma_wait3A_48 = tpu.memref_slice %arg2[%dma_wait3A_47] : memref<16384000xf32, #tpu.memory_space<hbm>> -> memref<16384000xf32, #tpu.memory_space<hbm>>
    tpu.wait_indirect_dma semaphore(%arg7 : memref<!tpu.dma_semaphore, #tpu.memory_space<semaphore_mem>>) src(%dma_wait3A_48 : memref<16384000xf32, #tpu.memory_space<hbm>>) dst(%dma_wait3A_43 : memref<128xf32, #tpu.memory_space<vmem>>)
    %dma_wait3A_49 = arith.constant 1 : i32
    %dma_wait3A_50 = arith.constant 1 : i32
    %dma_wait3A_51 = arith.constant 0 : i32
    %dma_wait3A_52 = tpu.memref_slice %arg6[%dma_wait3A_50, %dma_wait3A_51] : memref<4x128xf32, #tpu.memory_space<vmem>> -> memref<1x128xf32, #tpu.memory_space<vmem>>
    %dma_wait3A_53 = tpu.memref_squeeze %dma_wait3A_52 : memref<1x128xf32, #tpu.memory_space<vmem>> -> memref<128xf32, #tpu.memory_space<vmem>>
    %dma_wait3A_54 = arith.constant 0 : i32
    %dma_wait3A_55 = tpu.memref_slice %arg5[%dma_wait3A_49, %dma_wait3A_54] : memref<4x128xi32, #tpu.memory_space<vmem>> -> memref<1x128xi32, #tpu.memory_space<vmem>>
    %dma_wait3A_56 = tpu.memref_squeeze %dma_wait3A_55 : memref<1x128xi32, #tpu.memory_space<vmem>> -> memref<128xi32, #tpu.memory_space<vmem>>
    %dma_wait3A_57 = arith.constant 0 : i32
    %dma_wait3A_58 = tpu.memref_slice %arg2[%dma_wait3A_57] : memref<16384000xf32, #tpu.memory_space<hbm>> -> memref<16384000xf32, #tpu.memory_space<hbm>>
    tpu.wait_indirect_dma semaphore(%arg7 : memref<!tpu.dma_semaphore, #tpu.memory_space<semaphore_mem>>) src(%dma_wait3A_58 : memref<16384000xf32, #tpu.memory_space<hbm>>) dst(%dma_wait3A_53 : memref<128xf32, #tpu.memory_space<vmem>>)
    %dma_wait3A_59 = arith.constant 2 : i32
    %dma_wait3A_60 = arith.constant 2 : i32
    %dma_wait3A_61 = arith.constant 0 : i32
    %dma_wait3A_62 = tpu.memref_slice %arg6[%dma_wait3A_60, %dma_wait3A_61] : memref<4x128xf32, #tpu.memory_space<vmem>> -> memref<1x128xf32, #tpu.memory_space<vmem>>
    %dma_wait3A_63 = tpu.memref_squeeze %dma_wait3A_62 : memref<1x128xf32, #tpu.memory_space<vmem>> -> memref<128xf32, #tpu.memory_space<vmem>>
    %dma_wait3A_64 = arith.constant 0 : i32
    %dma_wait3A_65 = tpu.memref_slice %arg5[%dma_wait3A_59, %dma_wait3A_64] : memref<4x128xi32, #tpu.memory_space<vmem>> -> memref<1x128xi32, #tpu.memory_space<vmem>>
    %dma_wait3A_66 = tpu.memref_squeeze %dma_wait3A_65 : memref<1x128xi32, #tpu.memory_space<vmem>> -> memref<128xi32, #tpu.memory_space<vmem>>
    %dma_wait3A_67 = arith.constant 0 : i32
    %dma_wait3A_68 = tpu.memref_slice %arg2[%dma_wait3A_67] : memref<16384000xf32, #tpu.memory_space<hbm>> -> memref<16384000xf32, #tpu.memory_space<hbm>>
    tpu.wait_indirect_dma semaphore(%arg7 : memref<!tpu.dma_semaphore, #tpu.memory_space<semaphore_mem>>) src(%dma_wait3A_68 : memref<16384000xf32, #tpu.memory_space<hbm>>) dst(%dma_wait3A_63 : memref<128xf32, #tpu.memory_space<vmem>>)
    %dma_wait3A_69 = arith.constant 3 : i32
    %dma_wait3A_70 = arith.constant 3 : i32
    %dma_wait3A_71 = arith.constant 0 : i32
    %dma_wait3A_72 = tpu.memref_slice %arg6[%dma_wait3A_70, %dma_wait3A_71] : memref<4x128xf32, #tpu.memory_space<vmem>> -> memref<1x128xf32, #tpu.memory_space<vmem>>
    %dma_wait3A_73 = tpu.memref_squeeze %dma_wait3A_72 : memref<1x128xf32, #tpu.memory_space<vmem>> -> memref<128xf32, #tpu.memory_space<vmem>>
    %dma_wait3A_74 = arith.constant 0 : i32
    %dma_wait3A_75 = tpu.memref_slice %arg5[%dma_wait3A_69, %dma_wait3A_74] : memref<4x128xi32, #tpu.memory_space<vmem>> -> memref<1x128xi32, #tpu.memory_space<vmem>>
    %dma_wait3A_76 = tpu.memref_squeeze %dma_wait3A_75 : memref<1x128xi32, #tpu.memory_space<vmem>> -> memref<128xi32, #tpu.memory_space<vmem>>
    %dma_wait3A_77 = arith.constant 0 : i32
    %dma_wait3A_78 = tpu.memref_slice %arg2[%dma_wait3A_77] : memref<16384000xf32, #tpu.memory_space<hbm>> -> memref<16384000xf32, #tpu.memory_space<hbm>>
    tpu.wait_indirect_dma semaphore(%arg7 : memref<!tpu.dma_semaphore, #tpu.memory_space<semaphore_mem>>) src(%dma_wait3A_78 : memref<16384000xf32, #tpu.memory_space<hbm>>) dst(%dma_wait3A_73 : memref<128xf32, #tpu.memory_space<vmem>>)
    "tpu.region"() ({
      %run_scoped3A = tpu.sem_alloc : memref<!tpu.dma_semaphore, #tpu.memory_space<semaphore_mem>>
      %dma_start3A_79 = arith.constant 0 : i32
      %dma_start3A_80 = arith.constant 0 : i32
      %dma_start3A_81 = tpu.memref_slice %arg4[%add3A, %dma_start3A_79, %dma_start3A_80] : memref<32x4x128xf32, #tpu.memory_space<hbm>> -> memref<1x4x128xf32, #tpu.memory_space<hbm>>
      %dma_start3A_82 = tpu.memref_squeeze %dma_start3A_81 : memref<1x4x128xf32, #tpu.memory_space<hbm>> -> memref<4x128xf32, #tpu.memory_space<hbm>>
      %dma_start3A_83 = arith.constant 0 : i32
      %dma_start3A_84 = arith.constant 0 : i32
      %dma_start3A_85 = tpu.memref_slice %arg4[%add3A, %dma_start3A_83, %dma_start3A_84] : memref<32x4x128xf32, #tpu.memory_space<hbm>> -> memref<1x4x128xf32, #tpu.memory_space<hbm>>
      %dma_start3A_86 = tpu.memref_squeeze %dma_start3A_85 : memref<1x4x128xf32, #tpu.memory_space<hbm>> -> memref<4x128xf32, #tpu.memory_space<hbm>>
      tpu.enqueue_dma source(%arg6 : memref<4x128xf32, #tpu.memory_space<vmem>>) target(%dma_start3A_86 : memref<4x128xf32, #tpu.memory_space<hbm>>) target_semaphore(%run_scoped3A : memref<!tpu.dma_semaphore, #tpu.memory_space<semaphore_mem>>)
      %dma_wait3A_87 = arith.constant 0 : i32
      %dma_wait3A_88 = arith.constant 0 : i32
      %dma_wait3A_89 = tpu.memref_slice %arg4[%add3A, %dma_wait3A_87, %dma_wait3A_88] : memref<32x4x128xf32, #tpu.memory_space<hbm>> -> memref<1x4x128xf32, #tpu.memory_space<hbm>>
      %dma_wait3A_90 = tpu.memref_squeeze %dma_wait3A_89 : memref<1x4x128xf32, #tpu.memory_space<hbm>> -> memref<4x128xf32, #tpu.memory_space<hbm>>
      %dma_wait3A_91 = arith.constant 0 : i32
      %dma_wait3A_92 = arith.constant 0 : i32
      %dma_wait3A_93 = tpu.memref_slice %arg4[%add3A, %dma_wait3A_91, %dma_wait3A_92] : memref<32x4x128xf32, #tpu.memory_space<hbm>> -> memref<1x4x128xf32, #tpu.memory_space<hbm>>
      %dma_wait3A_94 = tpu.memref_squeeze %dma_wait3A_93 : memref<1x4x128xf32, #tpu.memory_space<hbm>> -> memref<4x128xf32, #tpu.memory_space<hbm>>
      tpu.wait_dma2 semaphore(%run_scoped3A : memref<!tpu.dma_semaphore, #tpu.memory_space<semaphore_mem>>) src(%arg6 : memref<4x128xf32, #tpu.memory_space<vmem>>) dst(%dma_wait3A_94 : memref<4x128xf32, #tpu.memory_space<hbm>>)
      tpu.yield
    }) : () -> ()
    return
  }
}

module attributes {stable_mosaic.version = 14 : i64} {
  func.func @_stats_body(%arg0: i32, %arg1: memref<512x1000xf32, #tpu.memory_space<vmem>>, %arg2: memref<1x1x512xf32, #tpu.memory_space<vmem>>) attributes {dimension_semantics = [#tpu.dimension_semantics<arbitrary>], iteration_bounds = array<i64: 32>, scalar_prefetch = 0 : i64, scratch_operands = 0 : i64, tpu.core_type = #tpu.core_type<tc>, window_params = [{transform_indices = @transform_0, window_bounds = array<i64: 512, 1000>}, {transform_indices = @transform_1, window_bounds = array<i64: 1, 1, 512>}]} {
    %get3A = arith.constant 0 : index
    %get3A_0 = arith.constant 0 : index
    %get3A_1 = vector.load %arg1[%get3A, %get3A_0] : memref<512x1000xf32, #tpu.memory_space<vmem>>, vector<512x1000xf32>
    %reduce_max3A = arith.constant dense<0xFF800000> : vector<512xf32>
    %reduce_max3A_2 = vector.multi_reduction <maximumf>, %get3A_1, %reduce_max3A [1] : vector<512x1000xf32> to vector<512xf32>
    %broadcast_in_dim3A = vector.shape_cast %reduce_max3A_2 : vector<512xf32> to vector<512x1xf32>
    %sub3A = vector.broadcast %broadcast_in_dim3A : vector<512x1xf32> to vector<512x1000xf32>
    %sub3A_3 = arith.subf %get3A_1, %sub3A : vector<512x1000xf32>
    %exp3A = math.exp %sub3A_3 : vector<512x1000xf32>
    %reduce_sum3A = arith.constant dense<0.000000e+00> : vector<512xf32>
    %reduce_sum3A_4 = vector.multi_reduction <add>, %exp3A, %reduce_sum3A [1] : vector<512x1000xf32> to vector<512xf32>
    %log3A = math.log %reduce_sum3A_4 : vector<512xf32>
    %add3A = arith.addf %reduce_max3A_2, %log3A : vector<512xf32>
    %reshape3A = vector.shape_cast %add3A : vector<512xf32> to vector<1x1x512xf32>
    %swap3A = arith.constant 0 : index
    %swap3A_5 = arith.constant 0 : index
    %swap3A_6 = arith.constant 0 : index
    %swap3A_7 = vector.load %arg2[%swap3A, %swap3A_5, %swap3A_6] : memref<1x1x512xf32, #tpu.memory_space<vmem>>, vector<1x1x512xf32>
    tpu.vector_store %arg2[%swap3A, %swap3A_5, %swap3A_6], %reshape3A {strides = array<i32>} : memref<1x1x512xf32, #tpu.memory_space<vmem>>, vector<1x1x512xf32>,
    return
  }
  func.func @transform_0(%arg0: i32) -> (i32, i32) {
    %c0_i32 = arith.constant 0 : i32
    %c0_i32_0 = arith.constant 0 : i32
    return %arg0, %c0_i32 : i32, i32
  }
  func.func @transform_1(%arg0: i32) -> (i32, i32, i32) {
    %c0_i32 = arith.constant 0 : i32
    %c0_i32_0 = arith.constant 0 : i32
    %c0_i32_1 = arith.constant 0 : i32
    return %arg0, %c0_i32, %c0_i32_0 : i32, i32, i32
  }
}

module attributes {stable_mosaic.version = 14 : i64} {
  func.func @_finish_body(%arg0: memref<128x128xf32, #tpu.memory_space<vmem>>, %arg1: memref<128x128xf32, #tpu.memory_space<vmem>>, %arg2: memref<10xf32, #tpu.memory_space<smem>>, %arg3: memref<1x1xf32, #tpu.memory_space<vmem>>) attributes {dimension_semantics = [], scalar_prefetch = 0 : i64, scratch_operands = 0 : i64, tpu.core_type = #tpu.core_type<tc>} {
    %get3A = arith.constant 0 : index
    %get3A_0 = arith.constant 0 : index
    %get3A_1 = vector.load %arg0[%get3A, %get3A_0] : memref<128x128xf32, #tpu.memory_space<vmem>>, vector<128x128xf32>
    %get3A_2 = arith.constant 0 : index
    %get3A_3 = arith.constant 0 : index
    %get3A_4 = vector.load %arg1[%get3A_2, %get3A_3] : memref<128x128xf32, #tpu.memory_space<vmem>>, vector<128x128xf32>
    %sub3A = arith.subf %get3A_4, %get3A_1 : vector<128x128xf32>
    %neg3A = arith.constant 0.000000e+00 : f32
    %neg3A_5 = vector.broadcast %neg3A : f32 to vector<128x128xf32>
    %neg3A_6 = arith.subf %neg3A_5, %sub3A : vector<128x128xf32>
    %exp3A = math.exp %sub3A : vector<128x128xf32>
    %sub3A_7 = arith.constant 1.000000e+00 : f32
    %sub3A_8 = vector.broadcast %sub3A_7 : f32 to vector<128x128xf32>
    %sub3A_9 = arith.subf %sub3A_8, %exp3A : vector<128x128xf32>
    %broadcast_in_dim3A = arith.constant 0 : i32
    %broadcast_in_dim3A_10 = vector.broadcast %broadcast_in_dim3A : i32 to vector<128x128xi32>
    %gt3A = arith.constant 0.000000e+00 : f32
    %gt3A_11 = vector.broadcast %gt3A : f32 to vector<128x128xf32>
    %gt3A_12 = arith.cmpf ogt, %sub3A_9, %gt3A_11 : vector<128x128xf32>
    %convert_element_type3A = arith.extui %gt3A_12 : vector<128x128xi1> to vector<128x128xi32>
    %add3A = arith.addi %broadcast_in_dim3A_10, %convert_element_type3A : vector<128x128xi32>
    %gt3A_13 = arith.constant 1.000000e-01 : f32
    %gt3A_14 = vector.broadcast %gt3A_13 : f32 to vector<128x128xf32>
    %gt3A_15 = arith.cmpf ogt, %sub3A_9, %gt3A_14 : vector<128x128xf32>
    %convert_element_type3A_16 = arith.extui %gt3A_15 : vector<128x128xi1> to vector<128x128xi32>
    %add3A_17 = arith.addi %add3A, %convert_element_type3A_16 : vector<128x128xi32>
    %gt3A_18 = arith.constant 2.000000e-01 : f32
    %gt3A_19 = vector.broadcast %gt3A_18 : f32 to vector<128x128xf32>
    %gt3A_20 = arith.cmpf ogt, %sub3A_9, %gt3A_19 : vector<128x128xf32>
    %convert_element_type3A_21 = arith.extui %gt3A_20 : vector<128x128xi1> to vector<128x128xi32>
    %add3A_22 = arith.addi %add3A_17, %convert_element_type3A_21 : vector<128x128xi32>
    %gt3A_23 = arith.constant 3.000000e-01 : f32
    %gt3A_24 = vector.broadcast %gt3A_23 : f32 to vector<128x128xf32>
    %gt3A_25 = arith.cmpf ogt, %sub3A_9, %gt3A_24 : vector<128x128xf32>
    %convert_element_type3A_26 = arith.extui %gt3A_25 : vector<128x128xi1> to vector<128x128xi32>
    %add3A_27 = arith.addi %add3A_22, %convert_element_type3A_26 : vector<128x128xi32>
    %gt3A_28 = arith.constant 4.000000e-01 : f32
    %gt3A_29 = vector.broadcast %gt3A_28 : f32 to vector<128x128xf32>
    %gt3A_30 = arith.cmpf ogt, %sub3A_9, %gt3A_29 : vector<128x128xf32>
    %convert_element_type3A_31 = arith.extui %gt3A_30 : vector<128x128xi1> to vector<128x128xi32>
    %add3A_32 = arith.addi %add3A_27, %convert_element_type3A_31 : vector<128x128xi32>
    %gt3A_33 = arith.constant 5.000000e-01 : f32
    %gt3A_34 = vector.broadcast %gt3A_33 : f32 to vector<128x128xf32>
    %gt3A_35 = arith.cmpf ogt, %sub3A_9, %gt3A_34 : vector<128x128xf32>
    %convert_element_type3A_36 = arith.extui %gt3A_35 : vector<128x128xi1> to vector<128x128xi32>
    %add3A_37 = arith.addi %add3A_32, %convert_element_type3A_36 : vector<128x128xi32>
    %gt3A_38 = arith.constant 6.000000e-01 : f32
    %gt3A_39 = vector.broadcast %gt3A_38 : f32 to vector<128x128xf32>
    %gt3A_40 = arith.cmpf ogt, %sub3A_9, %gt3A_39 : vector<128x128xf32>
    %convert_element_type3A_41 = arith.extui %gt3A_40 : vector<128x128xi1> to vector<128x128xi32>
    %add3A_42 = arith.addi %add3A_37, %convert_element_type3A_41 : vector<128x128xi32>
    %gt3A_43 = arith.constant 0.699999988 : f32
    %gt3A_44 = vector.broadcast %gt3A_43 : f32 to vector<128x128xf32>
    %gt3A_45 = arith.cmpf ogt, %sub3A_9, %gt3A_44 : vector<128x128xf32>
    %convert_element_type3A_46 = arith.extui %gt3A_45 : vector<128x128xi1> to vector<128x128xi32>
    %add3A_47 = arith.addi %add3A_42, %convert_element_type3A_46 : vector<128x128xi32>
    %gt3A_48 = arith.constant 8.000000e-01 : f32
    %gt3A_49 = vector.broadcast %gt3A_48 : f32 to vector<128x128xf32>
    %gt3A_50 = arith.cmpf ogt, %sub3A_9, %gt3A_49 : vector<128x128xf32>
    %convert_element_type3A_51 = arith.extui %gt3A_50 : vector<128x128xi1> to vector<128x128xi32>
    %add3A_52 = arith.addi %add3A_47, %convert_element_type3A_51 : vector<128x128xi32>
    %gt3A_53 = arith.constant 0.899999976 : f32
    %gt3A_54 = vector.broadcast %gt3A_53 : f32 to vector<128x128xf32>
    %gt3A_55 = arith.cmpf ogt, %sub3A_9, %gt3A_54 : vector<128x128xf32>
    %convert_element_type3A_56 = arith.extui %gt3A_55 : vector<128x128xi1> to vector<128x128xi32>
    %add3A_57 = arith.addi %add3A_52, %convert_element_type3A_56 : vector<128x128xi32>
    %broadcast_in_dim3A_58 = arith.constant 0.000000e+00 : f32
    %broadcast_in_dim3A_59 = vector.broadcast %broadcast_in_dim3A_58 : f32 to vector<128x128xf32>
    %eq3A = arith.constant 0 : i32
    %eq3A_60 = vector.broadcast %eq3A : i32 to vector<128x128xi32>
    %eq3A_61 = arith.cmpi eq, %add3A_57, %eq3A_60 : vector<128x128xi32>
    %convert_element_type3A_62 = arith.extui %eq3A_61 : vector<128x128xi1> to vector<128x128xi32>
    %convert_element_type3A_63 = arith.sitofp %convert_element_type3A_62 : vector<128x128xi32> to vector<128x128xf32>
    %reduce_sum3A = vector.shape_cast %convert_element_type3A_63 : vector<128x128xf32> to vector<1x128x128xf32>
    %reduce_sum3A_64 = arith.constant dense<0.000000e+00> : vector<1xf32>
    %reduce_sum3A_65 = vector.multi_reduction <add>, %reduce_sum3A, %reduce_sum3A_64 [1, 2] : vector<1x128x128xf32> to vector<1xf32>
    %reduce_sum3A_66 = vector.shape_cast %reduce_sum3A_65 : vector<1xf32> to vector<1x1x1xf32>
    %reduce_sum3A_67 = vector.extract %reduce_sum3A_66[0, 0, 0] : f32 from vector<1x1x1xf32>
    %get3A_68 = arith.constant 0 : index
    %get3A_69 = memref.load %arg2[%get3A_68] : memref<10xf32, #tpu.memory_space<smem>>
    %gt3A_70 = arith.constant 0.000000e+00 : f32
    %gt3A_71 = arith.cmpf ogt, %reduce_sum3A_67, %gt3A_70 : f32
    %mul3A = arith.constant 7.500000e-01 : f32
    %mul3A_72 = arith.mulf %mul3A, %get3A_69 : f32
    %mul3A_73 = arith.constant 2.500000e-01 : f32
    %mul3A_74 = arith.mulf %mul3A_73, %reduce_sum3A_67 : f32
    %add3A_75 = arith.addf %mul3A_72, %mul3A_74 : f32
    %select_n3A = arith.select %gt3A_71, %add3A_75, %get3A_69 : f32
    %gt3A_76 = arith.constant 0.000000e+00 : f32
    %gt3A_77 = arith.cmpf ogt, %reduce_sum3A_67, %gt3A_76 : f32
    %div3A = arith.constant 1.638400e+04 : f32
    %div3A_78 = arith.divf %div3A, %select_n3A : f32
    %jit3A = arith.constant 0.000000e+00 : f32
    %select_n3A_79 = arith.select %gt3A_77, %div3A_78, %jit3A : f32
    %jit3A_80 = arith.constant 0.000000e+00 : f32
    %broadcast_in_dim3A_81 = vector.broadcast %select_n3A_79 : f32 to vector<128x128xf32>
    %broadcast_in_dim3A_82 = vector.broadcast %jit3A_80 : f32 to vector<128x128xf32>
    %select_n3A_83 = arith.select %eq3A_61, %broadcast_in_dim3A_81, %broadcast_in_dim3A_82 : vector<128x128xi1>, vector<128x128xf32>
    %add3A_84 = arith.addf %broadcast_in_dim3A_59, %select_n3A_83 : vector<128x128xf32>
    %eq3A_85 = arith.constant 1 : i32
    %eq3A_86 = vector.broadcast %eq3A_85 : i32 to vector<128x128xi32>
    %eq3A_87 = arith.cmpi eq, %add3A_57, %eq3A_86 : vector<128x128xi32>
    %convert_element_type3A_88 = arith.extui %eq3A_87 : vector<128x128xi1> to vector<128x128xi32>
    %convert_element_type3A_89 = arith.sitofp %convert_element_type3A_88 : vector<128x128xi32> to vector<128x128xf32>
    %reduce_sum3A_90 = vector.shape_cast %convert_element_type3A_89 : vector<128x128xf32> to vector<1x128x128xf32>
    %reduce_sum3A_91 = arith.constant dense<0.000000e+00> : vector<1xf32>
    %reduce_sum3A_92 = vector.multi_reduction <add>, %reduce_sum3A_90, %reduce_sum3A_91 [1, 2] : vector<1x128x128xf32> to vector<1xf32>
    %reduce_sum3A_93 = vector.shape_cast %reduce_sum3A_92 : vector<1xf32> to vector<1x1x1xf32>
    %reduce_sum3A_94 = vector.extract %reduce_sum3A_93[0, 0, 0] : f32 from vector<1x1x1xf32>
    %get3A_95 = arith.constant 1 : index
    %get3A_96 = memref.load %arg2[%get3A_95] : memref<10xf32, #tpu.memory_space<smem>>
    %gt3A_97 = arith.constant 0.000000e+00 : f32
    %gt3A_98 = arith.cmpf ogt, %reduce_sum3A_94, %gt3A_97 : f32
    %mul3A_99 = arith.constant 7.500000e-01 : f32
    %mul3A_100 = arith.mulf %mul3A_99, %get3A_96 : f32
    %mul3A_101 = arith.constant 2.500000e-01 : f32
    %mul3A_102 = arith.mulf %mul3A_101, %reduce_sum3A_94 : f32
    %add3A_103 = arith.addf %mul3A_100, %mul3A_102 : f32
    %select_n3A_104 = arith.select %gt3A_98, %add3A_103, %get3A_96 : f32
    %gt3A_105 = arith.constant 0.000000e+00 : f32
    %gt3A_106 = arith.cmpf ogt, %reduce_sum3A_94, %gt3A_105 : f32
    %div3A_107 = arith.constant 1.638400e+04 : f32
    %div3A_108 = arith.divf %div3A_107, %select_n3A_104 : f32
    %jit3A_109 = arith.constant 0.000000e+00 : f32
    %select_n3A_110 = arith.select %gt3A_106, %div3A_108, %jit3A_109 : f32
    %jit3A_111 = arith.constant 0.000000e+00 : f32
    %broadcast_in_dim3A_112 = vector.broadcast %select_n3A_110 : f32 to vector<128x128xf32>
    %broadcast_in_dim3A_113 = vector.broadcast %jit3A_111 : f32 to vector<128x128xf32>
    %select_n3A_114 = arith.select %eq3A_87, %broadcast_in_dim3A_112, %broadcast_in_dim3A_113 : vector<128x128xi1>, vector<128x128xf32>
    %add3A_115 = arith.addf %add3A_84, %select_n3A_114 : vector<128x128xf32>
    %eq3A_116 = arith.constant 2 : i32
    %eq3A_117 = vector.broadcast %eq3A_116 : i32 to vector<128x128xi32>
    %eq3A_118 = arith.cmpi eq, %add3A_57, %eq3A_117 : vector<128x128xi32>
    %convert_element_type3A_119 = arith.extui %eq3A_118 : vector<128x128xi1> to vector<128x128xi32>
    %convert_element_type3A_120 = arith.sitofp %convert_element_type3A_119 : vector<128x128xi32> to vector<128x128xf32>
    %reduce_sum3A_121 = vector.shape_cast %convert_element_type3A_120 : vector<128x128xf32> to vector<1x128x128xf32>
    %reduce_sum3A_122 = arith.constant dense<0.000000e+00> : vector<1xf32>
    %reduce_sum3A_123 = vector.multi_reduction <add>, %reduce_sum3A_121, %reduce_sum3A_122 [1, 2] : vector<1x128x128xf32> to vector<1xf32>
    %reduce_sum3A_124 = vector.shape_cast %reduce_sum3A_123 : vector<1xf32> to vector<1x1x1xf32>
    %reduce_sum3A_125 = vector.extract %reduce_sum3A_124[0, 0, 0] : f32 from vector<1x1x1xf32>
    %get3A_126 = arith.constant 2 : index
    %get3A_127 = memref.load %arg2[%get3A_126] : memref<10xf32, #tpu.memory_space<smem>>
    %gt3A_128 = arith.constant 0.000000e+00 : f32
    %gt3A_129 = arith.cmpf ogt, %reduce_sum3A_125, %gt3A_128 : f32
    %mul3A_130 = arith.constant 7.500000e-01 : f32
    %mul3A_131 = arith.mulf %mul3A_130, %get3A_127 : f32
    %mul3A_132 = arith.constant 2.500000e-01 : f32
    %mul3A_133 = arith.mulf %mul3A_132, %reduce_sum3A_125 : f32
    %add3A_134 = arith.addf %mul3A_131, %mul3A_133 : f32
    %select_n3A_135 = arith.select %gt3A_129, %add3A_134, %get3A_127 : f32
    %gt3A_136 = arith.constant 0.000000e+00 : f32
    %gt3A_137 = arith.cmpf ogt, %reduce_sum3A_125, %gt3A_136 : f32
    %div3A_138 = arith.constant 1.638400e+04 : f32
    %div3A_139 = arith.divf %div3A_138, %select_n3A_135 : f32
    %jit3A_140 = arith.constant 0.000000e+00 : f32
    %select_n3A_141 = arith.select %gt3A_137, %div3A_139, %jit3A_140 : f32
    %jit3A_142 = arith.constant 0.000000e+00 : f32
    %broadcast_in_dim3A_143 = vector.broadcast %select_n3A_141 : f32 to vector<128x128xf32>
    %broadcast_in_dim3A_144 = vector.broadcast %jit3A_142 : f32 to vector<128x128xf32>
    %select_n3A_145 = arith.select %eq3A_118, %broadcast_in_dim3A_143, %broadcast_in_dim3A_144 : vector<128x128xi1>, vector<128x128xf32>
    %add3A_146 = arith.addf %add3A_115, %select_n3A_145 : vector<128x128xf32>
    %eq3A_147 = arith.constant 3 : i32
    %eq3A_148 = vector.broadcast %eq3A_147 : i32 to vector<128x128xi32>
    %eq3A_149 = arith.cmpi eq, %add3A_57, %eq3A_148 : vector<128x128xi32>
    %convert_element_type3A_150 = arith.extui %eq3A_149 : vector<128x128xi1> to vector<128x128xi32>
    %convert_element_type3A_151 = arith.sitofp %convert_element_type3A_150 : vector<128x128xi32> to vector<128x128xf32>
    %reduce_sum3A_152 = vector.shape_cast %convert_element_type3A_151 : vector<128x128xf32> to vector<1x128x128xf32>
    %reduce_sum3A_153 = arith.constant dense<0.000000e+00> : vector<1xf32>
    %reduce_sum3A_154 = vector.multi_reduction <add>, %reduce_sum3A_152, %reduce_sum3A_153 [1, 2] : vector<1x128x128xf32> to vector<1xf32>
    %reduce_sum3A_155 = vector.shape_cast %reduce_sum3A_154 : vector<1xf32> to vector<1x1x1xf32>
    %reduce_sum3A_156 = vector.extract %reduce_sum3A_155[0, 0, 0] : f32 from vector<1x1x1xf32>
    %get3A_157 = arith.constant 3 : index
    %get3A_158 = memref.load %arg2[%get3A_157] : memref<10xf32, #tpu.memory_space<smem>>
    %gt3A_159 = arith.constant 0.000000e+00 : f32
    %gt3A_160 = arith.cmpf ogt, %reduce_sum3A_156, %gt3A_159 : f32
    %mul3A_161 = arith.constant 7.500000e-01 : f32
    %mul3A_162 = arith.mulf %mul3A_161, %get3A_158 : f32
    %mul3A_163 = arith.constant 2.500000e-01 : f32
    %mul3A_164 = arith.mulf %mul3A_163, %reduce_sum3A_156 : f32
    %add3A_165 = arith.addf %mul3A_162, %mul3A_164 : f32
    %select_n3A_166 = arith.select %gt3A_160, %add3A_165, %get3A_158 : f32
    %gt3A_167 = arith.constant 0.000000e+00 : f32
    %gt3A_168 = arith.cmpf ogt, %reduce_sum3A_156, %gt3A_167 : f32
    %div3A_169 = arith.constant 1.638400e+04 : f32
    %div3A_170 = arith.divf %div3A_169, %select_n3A_166 : f32
    %jit3A_171 = arith.constant 0.000000e+00 : f32
    %select_n3A_172 = arith.select %gt3A_168, %div3A_170, %jit3A_171 : f32
    %jit3A_173 = arith.constant 0.000000e+00 : f32
    %broadcast_in_dim3A_174 = vector.broadcast %select_n3A_172 : f32 to vector<128x128xf32>
    %broadcast_in_dim3A_175 = vector.broadcast %jit3A_173 : f32 to vector<128x128xf32>
    %select_n3A_176 = arith.select %eq3A_149, %broadcast_in_dim3A_174, %broadcast_in_dim3A_175 : vector<128x128xi1>, vector<128x128xf32>
    %add3A_177 = arith.addf %add3A_146, %select_n3A_176 : vector<128x128xf32>
    %eq3A_178 = arith.constant 4 : i32
    %eq3A_179 = vector.broadcast %eq3A_178 : i32 to vector<128x128xi32>
    %eq3A_180 = arith.cmpi eq, %add3A_57, %eq3A_179 : vector<128x128xi32>
    %convert_element_type3A_181 = arith.extui %eq3A_180 : vector<128x128xi1> to vector<128x128xi32>
    %convert_element_type3A_182 = arith.sitofp %convert_element_type3A_181 : vector<128x128xi32> to vector<128x128xf32>
    %reduce_sum3A_183 = vector.shape_cast %convert_element_type3A_182 : vector<128x128xf32> to vector<1x128x128xf32>
    %reduce_sum3A_184 = arith.constant dense<0.000000e+00> : vector<1xf32>
    %reduce_sum3A_185 = vector.multi_reduction <add>, %reduce_sum3A_183, %reduce_sum3A_184 [1, 2] : vector<1x128x128xf32> to vector<1xf32>
    %reduce_sum3A_186 = vector.shape_cast %reduce_sum3A_185 : vector<1xf32> to vector<1x1x1xf32>
    %reduce_sum3A_187 = vector.extract %reduce_sum3A_186[0, 0, 0] : f32 from vector<1x1x1xf32>
    %get3A_188 = arith.constant 4 : index
    %get3A_189 = memref.load %arg2[%get3A_188] : memref<10xf32, #tpu.memory_space<smem>>
    %gt3A_190 = arith.constant 0.000000e+00 : f32
    %gt3A_191 = arith.cmpf ogt, %reduce_sum3A_187, %gt3A_190 : f32
    %mul3A_192 = arith.constant 7.500000e-01 : f32
    %mul3A_193 = arith.mulf %mul3A_192, %get3A_189 : f32
    %mul3A_194 = arith.constant 2.500000e-01 : f32
    %mul3A_195 = arith.mulf %mul3A_194, %reduce_sum3A_187 : f32
    %add3A_196 = arith.addf %mul3A_193, %mul3A_195 : f32
    %select_n3A_197 = arith.select %gt3A_191, %add3A_196, %get3A_189 : f32
    %gt3A_198 = arith.constant 0.000000e+00 : f32
    %gt3A_199 = arith.cmpf ogt, %reduce_sum3A_187, %gt3A_198 : f32
    %div3A_200 = arith.constant 1.638400e+04 : f32
    %div3A_201 = arith.divf %div3A_200, %select_n3A_197 : f32
    %jit3A_202 = arith.constant 0.000000e+00 : f32
    %select_n3A_203 = arith.select %gt3A_199, %div3A_201, %jit3A_202 : f32
    %jit3A_204 = arith.constant 0.000000e+00 : f32
    %broadcast_in_dim3A_205 = vector.broadcast %select_n3A_203 : f32 to vector<128x128xf32>
    %broadcast_in_dim3A_206 = vector.broadcast %jit3A_204 : f32 to vector<128x128xf32>
    %select_n3A_207 = arith.select %eq3A_180, %broadcast_in_dim3A_205, %broadcast_in_dim3A_206 : vector<128x128xi1>, vector<128x128xf32>
    %add3A_208 = arith.addf %add3A_177, %select_n3A_207 : vector<128x128xf32>
    %eq3A_209 = arith.constant 5 : i32
    %eq3A_210 = vector.broadcast %eq3A_209 : i32 to vector<128x128xi32>
    %eq3A_211 = arith.cmpi eq, %add3A_57, %eq3A_210 : vector<128x128xi32>
    %convert_element_type3A_212 = arith.extui %eq3A_211 : vector<128x128xi1> to vector<128x128xi32>
    %convert_element_type3A_213 = arith.sitofp %convert_element_type3A_212 : vector<128x128xi32> to vector<128x128xf32>
    %reduce_sum3A_214 = vector.shape_cast %convert_element_type3A_213 : vector<128x128xf32> to vector<1x128x128xf32>
    %reduce_sum3A_215 = arith.constant dense<0.000000e+00> : vector<1xf32>
    %reduce_sum3A_216 = vector.multi_reduction <add>, %reduce_sum3A_214, %reduce_sum3A_215 [1, 2] : vector<1x128x128xf32> to vector<1xf32>
    %reduce_sum3A_217 = vector.shape_cast %reduce_sum3A_216 : vector<1xf32> to vector<1x1x1xf32>
    %reduce_sum3A_218 = vector.extract %reduce_sum3A_217[0, 0, 0] : f32 from vector<1x1x1xf32>
    %get3A_219 = arith.constant 5 : index
    %get3A_220 = memref.load %arg2[%get3A_219] : memref<10xf32, #tpu.memory_space<smem>>
    %gt3A_221 = arith.constant 0.000000e+00 : f32
    %gt3A_222 = arith.cmpf ogt, %reduce_sum3A_218, %gt3A_221 : f32
    %mul3A_223 = arith.constant 7.500000e-01 : f32
    %mul3A_224 = arith.mulf %mul3A_223, %get3A_220 : f32
    %mul3A_225 = arith.constant 2.500000e-01 : f32
    %mul3A_226 = arith.mulf %mul3A_225, %reduce_sum3A_218 : f32
    %add3A_227 = arith.addf %mul3A_224, %mul3A_226 : f32
    %select_n3A_228 = arith.select %gt3A_222, %add3A_227, %get3A_220 : f32
    %gt3A_229 = arith.constant 0.000000e+00 : f32
    %gt3A_230 = arith.cmpf ogt, %reduce_sum3A_218, %gt3A_229 : f32
    %div3A_231 = arith.constant 1.638400e+04 : f32
    %div3A_232 = arith.divf %div3A_231, %select_n3A_228 : f32
    %jit3A_233 = arith.constant 0.000000e+00 : f32
    %select_n3A_234 = arith.select %gt3A_230, %div3A_232, %jit3A_233 : f32
    %jit3A_235 = arith.constant 0.000000e+00 : f32
    %broadcast_in_dim3A_236 = vector.broadcast %select_n3A_234 : f32 to vector<128x128xf32>
    %broadcast_in_dim3A_237 = vector.broadcast %jit3A_235 : f32 to vector<128x128xf32>
    %select_n3A_238 = arith.select %eq3A_211, %broadcast_in_dim3A_236, %broadcast_in_dim3A_237 : vector<128x128xi1>, vector<128x128xf32>
    %add3A_239 = arith.addf %add3A_208, %select_n3A_238 : vector<128x128xf32>
    %eq3A_240 = arith.constant 6 : i32
    %eq3A_241 = vector.broadcast %eq3A_240 : i32 to vector<128x128xi32>
    %eq3A_242 = arith.cmpi eq, %add3A_57, %eq3A_241 : vector<128x128xi32>
    %convert_element_type3A_243 = arith.extui %eq3A_242 : vector<128x128xi1> to vector<128x128xi32>
    %convert_element_type3A_244 = arith.sitofp %convert_element_type3A_243 : vector<128x128xi32> to vector<128x128xf32>
    %reduce_sum3A_245 = vector.shape_cast %convert_element_type3A_244 : vector<128x128xf32> to vector<1x128x128xf32>
    %reduce_sum3A_246 = arith.constant dense<0.000000e+00> : vector<1xf32>
    %reduce_sum3A_247 = vector.multi_reduction <add>, %reduce_sum3A_245, %reduce_sum3A_246 [1, 2] : vector<1x128x128xf32> to vector<1xf32>
    %reduce_sum3A_248 = vector.shape_cast %reduce_sum3A_247 : vector<1xf32> to vector<1x1x1xf32>
    %reduce_sum3A_249 = vector.extract %reduce_sum3A_248[0, 0, 0] : f32 from vector<1x1x1xf32>
    %get3A_250 = arith.constant 6 : index
    %get3A_251 = memref.load %arg2[%get3A_250] : memref<10xf32, #tpu.memory_space<smem>>
    %gt3A_252 = arith.constant 0.000000e+00 : f32
    %gt3A_253 = arith.cmpf ogt, %reduce_sum3A_249, %gt3A_252 : f32
    %mul3A_254 = arith.constant 7.500000e-01 : f32
    %mul3A_255 = arith.mulf %mul3A_254, %get3A_251 : f32
    %mul3A_256 = arith.constant 2.500000e-01 : f32
    %mul3A_257 = arith.mulf %mul3A_256, %reduce_sum3A_249 : f32
    %add3A_258 = arith.addf %mul3A_255, %mul3A_257 : f32
    %select_n3A_259 = arith.select %gt3A_253, %add3A_258, %get3A_251 : f32
    %gt3A_260 = arith.constant 0.000000e+00 : f32
    %gt3A_261 = arith.cmpf ogt, %reduce_sum3A_249, %gt3A_260 : f32
    %div3A_262 = arith.constant 1.638400e+04 : f32
    %div3A_263 = arith.divf %div3A_262, %select_n3A_259 : f32
    %jit3A_264 = arith.constant 0.000000e+00 : f32
    %select_n3A_265 = arith.select %gt3A_261, %div3A_263, %jit3A_264 : f32
    %jit3A_266 = arith.constant 0.000000e+00 : f32
    %broadcast_in_dim3A_267 = vector.broadcast %select_n3A_265 : f32 to vector<128x128xf32>
    %broadcast_in_dim3A_268 = vector.broadcast %jit3A_266 : f32 to vector<128x128xf32>
    %select_n3A_269 = arith.select %eq3A_242, %broadcast_in_dim3A_267, %broadcast_in_dim3A_268 : vector<128x128xi1>, vector<128x128xf32>
    %add3A_270 = arith.addf %add3A_239, %select_n3A_269 : vector<128x128xf32>
    %eq3A_271 = arith.constant 7 : i32
    %eq3A_272 = vector.broadcast %eq3A_271 : i32 to vector<128x128xi32>
    %eq3A_273 = arith.cmpi eq, %add3A_57, %eq3A_272 : vector<128x128xi32>
    %convert_element_type3A_274 = arith.extui %eq3A_273 : vector<128x128xi1> to vector<128x128xi32>
    %convert_element_type3A_275 = arith.sitofp %convert_element_type3A_274 : vector<128x128xi32> to vector<128x128xf32>
    %reduce_sum3A_276 = vector.shape_cast %convert_element_type3A_275 : vector<128x128xf32> to vector<1x128x128xf32>
    %reduce_sum3A_277 = arith.constant dense<0.000000e+00> : vector<1xf32>
    %reduce_sum3A_278 = vector.multi_reduction <add>, %reduce_sum3A_276, %reduce_sum3A_277 [1, 2] : vector<1x128x128xf32> to vector<1xf32>
    %reduce_sum3A_279 = vector.shape_cast %reduce_sum3A_278 : vector<1xf32> to vector<1x1x1xf32>
    %reduce_sum3A_280 = vector.extract %reduce_sum3A_279[0, 0, 0] : f32 from vector<1x1x1xf32>
    %get3A_281 = arith.constant 7 : index
    %get3A_282 = memref.load %arg2[%get3A_281] : memref<10xf32, #tpu.memory_space<smem>>
    %gt3A_283 = arith.constant 0.000000e+00 : f32
    %gt3A_284 = arith.cmpf ogt, %reduce_sum3A_280, %gt3A_283 : f32
    %mul3A_285 = arith.constant 7.500000e-01 : f32
    %mul3A_286 = arith.mulf %mul3A_285, %get3A_282 : f32
    %mul3A_287 = arith.constant 2.500000e-01 : f32
    %mul3A_288 = arith.mulf %mul3A_287, %reduce_sum3A_280 : f32
    %add3A_289 = arith.addf %mul3A_286, %mul3A_288 : f32
    %select_n3A_290 = arith.select %gt3A_284, %add3A_289, %get3A_282 : f32
    %gt3A_291 = arith.constant 0.000000e+00 : f32
    %gt3A_292 = arith.cmpf ogt, %reduce_sum3A_280, %gt3A_291 : f32
    %div3A_293 = arith.constant 1.638400e+04 : f32
    %div3A_294 = arith.divf %div3A_293, %select_n3A_290 : f32
    %jit3A_295 = arith.constant 0.000000e+00 : f32
    %select_n3A_296 = arith.select %gt3A_292, %div3A_294, %jit3A_295 : f32
    %jit3A_297 = arith.constant 0.000000e+00 : f32
    %broadcast_in_dim3A_298 = vector.broadcast %select_n3A_296 : f32 to vector<128x128xf32>
    %broadcast_in_dim3A_299 = vector.broadcast %jit3A_297 : f32 to vector<128x128xf32>
    %select_n3A_300 = arith.select %eq3A_273, %broadcast_in_dim3A_298, %broadcast_in_dim3A_299 : vector<128x128xi1>, vector<128x128xf32>
    %add3A_301 = arith.addf %add3A_270, %select_n3A_300 : vector<128x128xf32>
    %eq3A_302 = arith.constant 8 : i32
    %eq3A_303 = vector.broadcast %eq3A_302 : i32 to vector<128x128xi32>
    %eq3A_304 = arith.cmpi eq, %add3A_57, %eq3A_303 : vector<128x128xi32>
    %convert_element_type3A_305 = arith.extui %eq3A_304 : vector<128x128xi1> to vector<128x128xi32>
    %convert_element_type3A_306 = arith.sitofp %convert_element_type3A_305 : vector<128x128xi32> to vector<128x128xf32>
    %reduce_sum3A_307 = vector.shape_cast %convert_element_type3A_306 : vector<128x128xf32> to vector<1x128x128xf32>
    %reduce_sum3A_308 = arith.constant dense<0.000000e+00> : vector<1xf32>
    %reduce_sum3A_309 = vector.multi_reduction <add>, %reduce_sum3A_307, %reduce_sum3A_308 [1, 2] : vector<1x128x128xf32> to vector<1xf32>
    %reduce_sum3A_310 = vector.shape_cast %reduce_sum3A_309 : vector<1xf32> to vector<1x1x1xf32>
    %reduce_sum3A_311 = vector.extract %reduce_sum3A_310[0, 0, 0] : f32 from vector<1x1x1xf32>
    %get3A_312 = arith.constant 8 : index
    %get3A_313 = memref.load %arg2[%get3A_312] : memref<10xf32, #tpu.memory_space<smem>>
    %gt3A_314 = arith.constant 0.000000e+00 : f32
    %gt3A_315 = arith.cmpf ogt, %reduce_sum3A_311, %gt3A_314 : f32
    %mul3A_316 = arith.constant 7.500000e-01 : f32
    %mul3A_317 = arith.mulf %mul3A_316, %get3A_313 : f32
    %mul3A_318 = arith.constant 2.500000e-01 : f32
    %mul3A_319 = arith.mulf %mul3A_318, %reduce_sum3A_311 : f32
    %add3A_320 = arith.addf %mul3A_317, %mul3A_319 : f32
    %select_n3A_321 = arith.select %gt3A_315, %add3A_320, %get3A_313 : f32
    %gt3A_322 = arith.constant 0.000000e+00 : f32
    %gt3A_323 = arith.cmpf ogt, %reduce_sum3A_311, %gt3A_322 : f32
    %div3A_324 = arith.constant 1.638400e+04 : f32
    %div3A_325 = arith.divf %div3A_324, %select_n3A_321 : f32
    %jit3A_326 = arith.constant 0.000000e+00 : f32
    %select_n3A_327 = arith.select %gt3A_323, %div3A_325, %jit3A_326 : f32
    %jit3A_328 = arith.constant 0.000000e+00 : f32
    %broadcast_in_dim3A_329 = vector.broadcast %select_n3A_327 : f32 to vector<128x128xf32>
    %broadcast_in_dim3A_330 = vector.broadcast %jit3A_328 : f32 to vector<128x128xf32>
    %select_n3A_331 = arith.select %eq3A_304, %broadcast_in_dim3A_329, %broadcast_in_dim3A_330 : vector<128x128xi1>, vector<128x128xf32>
    %add3A_332 = arith.addf %add3A_301, %select_n3A_331 : vector<128x128xf32>
    %eq3A_333 = arith.constant 9 : i32
    %eq3A_334 = vector.broadcast %eq3A_333 : i32 to vector<128x128xi32>
    %eq3A_335 = arith.cmpi eq, %add3A_57, %eq3A_334 : vector<128x128xi32>
    %convert_element_type3A_336 = arith.extui %eq3A_335 : vector<128x128xi1> to vector<128x128xi32>
    %convert_element_type3A_337 = arith.sitofp %convert_element_type3A_336 : vector<128x128xi32> to vector<128x128xf32>
    %reduce_sum3A_338 = vector.shape_cast %convert_element_type3A_337 : vector<128x128xf32> to vector<1x128x128xf32>
    %reduce_sum3A_339 = arith.constant dense<0.000000e+00> : vector<1xf32>
    %reduce_sum3A_340 = vector.multi_reduction <add>, %reduce_sum3A_338, %reduce_sum3A_339 [1, 2] : vector<1x128x128xf32> to vector<1xf32>
    %reduce_sum3A_341 = vector.shape_cast %reduce_sum3A_340 : vector<1xf32> to vector<1x1x1xf32>
    %reduce_sum3A_342 = vector.extract %reduce_sum3A_341[0, 0, 0] : f32 from vector<1x1x1xf32>
    %get3A_343 = arith.constant 9 : index
    %get3A_344 = memref.load %arg2[%get3A_343] : memref<10xf32, #tpu.memory_space<smem>>
    %gt3A_345 = arith.constant 0.000000e+00 : f32
    %gt3A_346 = arith.cmpf ogt, %reduce_sum3A_342, %gt3A_345 : f32
    %mul3A_347 = arith.constant 7.500000e-01 : f32
    %mul3A_348 = arith.mulf %mul3A_347, %get3A_344 : f32
    %mul3A_349 = arith.constant 2.500000e-01 : f32
    %mul3A_350 = arith.mulf %mul3A_349, %reduce_sum3A_342 : f32
    %add3A_351 = arith.addf %mul3A_348, %mul3A_350 : f32
    %select_n3A_352 = arith.select %gt3A_346, %add3A_351, %get3A_344 : f32
    %gt3A_353 = arith.constant 0.000000e+00 : f32
    %gt3A_354 = arith.cmpf ogt, %reduce_sum3A_342, %gt3A_353 : f32
    %div3A_355 = arith.constant 1.638400e+04 : f32
    %div3A_356 = arith.divf %div3A_355, %select_n3A_352 : f32
    %jit3A_357 = arith.constant 0.000000e+00 : f32
    %select_n3A_358 = arith.select %gt3A_354, %div3A_356, %jit3A_357 : f32
    %jit3A_359 = arith.constant 0.000000e+00 : f32
    %broadcast_in_dim3A_360 = vector.broadcast %select_n3A_358 : f32 to vector<128x128xf32>
    %broadcast_in_dim3A_361 = vector.broadcast %jit3A_359 : f32 to vector<128x128xf32>
    %select_n3A_362 = arith.select %eq3A_335, %broadcast_in_dim3A_360, %broadcast_in_dim3A_361 : vector<128x128xi1>, vector<128x128xf32>
    %add3A_363 = arith.addf %add3A_332, %select_n3A_362 : vector<128x128xf32>
    %reduce_sum3A_364 = vector.shape_cast %add3A_363 : vector<128x128xf32> to vector<1x128x128xf32>
    %reduce_sum3A_365 = arith.constant dense<0.000000e+00> : vector<1xf32>
    %reduce_sum3A_366 = vector.multi_reduction <add>, %reduce_sum3A_364, %reduce_sum3A_365 [1, 2] : vector<1x128x128xf32> to vector<1xf32>
    %reduce_sum3A_367 = vector.shape_cast %reduce_sum3A_366 : vector<1xf32> to vector<1x1x1xf32>
    %reduce_sum3A_368 = vector.extract %reduce_sum3A_367[0, 0, 0] : f32 from vector<1x1x1xf32>
    %mul3A_369 = arith.mulf %neg3A_6, %add3A_363 : vector<128x128xf32>
    %reduce_sum3A_370 = vector.shape_cast %mul3A_369 : vector<128x128xf32> to vector<1x128x128xf32>
    %reduce_sum3A_371 = arith.constant dense<0.000000e+00> : vector<1xf32>
    %reduce_sum3A_372 = vector.multi_reduction <add>, %reduce_sum3A_370, %reduce_sum3A_371 [1, 2] : vector<1x128x128xf32> to vector<1xf32>
    %reduce_sum3A_373 = vector.shape_cast %reduce_sum3A_372 : vector<1xf32> to vector<1x1x1xf32>
    %reduce_sum3A_374 = vector.extract %reduce_sum3A_373[0, 0, 0] : f32 from vector<1x1x1xf32>
    %div3A_375 = arith.divf %reduce_sum3A_374, %reduce_sum3A_368 : f32
    %mul3A_376 = arith.constant 1.000000e+00 : f32
    %mul3A_377 = arith.mulf %div3A_375, %mul3A_376 : f32
    %reshape3A = vector.broadcast %mul3A_377 : f32 to vector<1x1xf32>
    %swap3A = arith.constant 0 : index
    %swap3A_378 = arith.constant 0 : index
    %swap3A_379 = vector.load %arg3[%swap3A, %swap3A_378] : memref<1x1xf32, #tpu.memory_space<vmem>>, vector<1x1xf32>
    tpu.vector_store %arg3[%swap3A, %swap3A_378], %reshape3A {strides = array<i32>} : memref<1x1xf32, #tpu.memory_space<vmem>>, vector<1x1xf32>,
    return
  }
}

</mosaic_0001>

<sc_bundles>
// kernel: kernel.5.cloned.1.call-start
scs
__scs_entry_jumppad:
0x0: {  	(pc) =	sbr.rel $0x88, $3  }
0x1: {  	(tag) =	ssettag $0x0;
	lr =	simm.s32 $0x1  }
0x2: {  	[smem:$0x3F9E] =	sst lr;
	_ =	strace $0xD0000000  }
0x3: {  	_ = 	snop  }
0x4: {  	_ = 	snop  }
0x5: {  	_ = 	snop  }
0x6: {  	_ = 	snop  }
0x7: {  	_ = 	snop  }
__scs_overlays_trampoline_lowered:
0x8: {  	[smem:$0x3FAD] =	sst s0  }
0x9: {  	[smem:$0x3FAE] =	sst s1  }
0xa: {  	[smem:$0x3FAF] =	sst s2  }
0xb: {  	[smem:$0x3FB0] =	sst s3  }
0xc: {  	[smem:$0x3FB1] =	sst s4  }
0xd: {  	[smem:$0x3FB2] =	sst s5  }
0xe: {  	[smem:$0x3FB3] =	sst s6  }
0xf: {  	[smem:$0x3FB4] =	sst s7  }
0x10: {  	[smem:$0x3FB5] =	sst s8  }
0x11: {  	[smem:$0x3FB6] =	sst s9;
	s0 =	simm.s32 @!p0 $0x0  }
0x12: {  	s1 =	sld [smem:$0x3F9C];
	s0 =	simm.s32 @p0 $0x1  }
0x13: {  	[smem:$0x3FB7] =	sst s0;
	s0 =	simm.s32 @!p1 $0x0  }
0x14: {  	s2 =	sld [smem:$0x3F9B];
	s0 =	simm.s32 @p1 $0x1  }
0x15: {  	[smem:$0x3FB8] =	sst s0;
	s0 =	simm.s32 @!p2 $0x0  }
0x16: {  	s3 =	sld [smem:$0x3FDB];
	s0 =	simm.s32 @p2 $0x1  }
0x17: {  	s4 =	simm.s32 $0x1BF5;
	[smem:$0x3FBA] =	sst s0  }
0x18: {  	s0 =	sld [smem:$0x3F9D];
	_ =	swait.ge [sflag:s4], $0x0  }
0x19: {  	s7 =	sld [smem:$0x3F9E]  }
0x1a: {  	s8 =	sadd.s32 $0xFFFFE003, lr  }
0x1b: {  	s9 =	sadd.s32 $0xFFFFFEF7, lr;
	s5 =	simm.s32 $0xFFFFFFFF;
	p2 =	slt.u32 s8, $0xFFFFF086  }
0x1c: {  	p1 =	slt.u32 s9, $0xF7A;
	s5 =	simm.s32 @!p2 $0x0  }
0x1d: {  	s5 =	simm.s32 @p1 $0x1;
	p0 =	seq.s32 s7, s2  }
0x1e: {  	s7 =	smul.u32 @!p0 $0xF7A, s2;
	p2 =	seq.s32 @!p0 s5, $0x0  }
0x1f: {  	s9 =	smul.u32 $0xF7A, s1;
	s8 =	simm.s32 @!p0 $0x1BF5;
	p2 =	por !p2, p0  }
0x20: {  	[sflag:s8] =	ssyncset.s32 @!p0 $0xFFFFF086;
	s6 =	sadd.s32 @!p0 s3, s7;
	s7 =	simm.s32 @!p0 $0x108  }
0x21: {  	s3 =	sadd.s32 s3, s9;
	s6 =	sadd.s32 @!p0 $0x88, s6;
	s7 =	simm.s32 @p2 $0x1082  }
0x22: {  	[simem:s7], [sflag:s8] =	dma.local @!p0 [hbm:s6], $0xF7A  }
0x23: {  	s9 =	sor.u32 $0xD0000000, s2;
	s6 =	simm.s32 $0x108;
	_ =	swait.ge @!p0 [sflag:s8], $0x0  }
0x24: {  	s3 =	sadd.s32 $0x88, s3;
	s6 =	simm.s32 @!p1 $0x1082;
	[sflag:s4] =	ssyncset.s32 $0xFFFFF086  }
0x25: {  	[simem:s6], [sflag:s4] =	dma.local [hbm:s3], $0xF7A  }
0x26: {  	[smem:$0x3F9E] =	sst s1;
	(tag) =	ssettag s2;
	_ =	strace s9  }
0x27: {  	s1 =	sld [smem:$0x3FAE]  }
0x28: {  	s2 =	sld [smem:$0x3FAF]  }
0x29: {  	s4 =	sld [smem:$0x3FB1]  }
0x2a: {  	p0 =	seq.s32 s5, $0x0;
	s5 =	sld [smem:$0x3FB2]  }
0x2b: {  	s6 =	sld [smem:$0x3FB3]  }
0x2c: {  	s7 =	sld [smem:$0x3FB4]  }
0x2d: {  	s3 =	simm.s32 $0x108;
	s8 =	sld [smem:$0x3FB5]  }
0x2e: {  	s3 =	simm.s32 @!p0 $0x1082;
	s9 =	sld [smem:$0x3FB6]  }
0x2f: {  	lr =	sadd.s32 s0, s3;
	s0 =	sld [smem:$0x3FAD]  }
0x30: {  	s3 =	sld [smem:$0x3FB0]  }
0x31: {  	[smem:$0x3FB9] =	sst s10  }
0x32: {  	s10 =	sld [smem:$0x3FB7];
	_ =	sdelay $0x3  }
0x33: {  	p0 =	seq.s32 s10, $0x1;
	s10 =	sld [smem:$0x3FB9];
	_ =	sdelay $0x3  }
0x34: {  	[smem:$0x3FB9] =	sst s10  }
0x35: {  	s10 =	sld [smem:$0x3FB8];
	_ =	sdelay $0x3  }
0x36: {  	p1 =	seq.s32 s10, $0x1;
	s10 =	sld [smem:$0x3FB9];
	_ =	sdelay $0x3  }
0x37: {  	[smem:$0x3FB9] =	sst s10  }
0x38: {  	s10 =	sld [smem:$0x3FBA]  }
0x39: {  	_ = 	snop;
	(pc) =	sbr.ind lr, $3  }
0x3a: {  	_ = 	snop  }
0x3b: {  	_ = 	snop  }
0x3c: {  	p2 =	seq.s32 s10, $0x1;
	s10 =	sld [smem:$0x3FB9]  }
0x3d: {  	_ =	shalt  }
0x3e: {  	_ =	shalt  }
0x3f: {  	_ =	shalt  }
0x40: {  	_ =	shalt  }
0x41: {  	_ =	shalt  }
0x42: {  	_ =	shalt  }
0x43: {  	_ =	shalt  }
0x44: {  	_ =	shalt  }
0x45: {  	_ =	shalt  }
0x46: {  	_ =	shalt  }
0x47: {  	_ =	shalt  }
0x48: {  	_ =	shalt  }
0x49: {  	_ =	shalt  }
0x4a: {  	_ =	shalt  }
0x4b: {  	_ =	shalt  }
0x4c: {  	_ =	shalt  }
0x4d: {  	_ =	shalt  }
0x4e: {  	_ =	shalt  }
0x4f: {  	_ =	shalt  }
0x50: {  	_ =	shalt  }
0x51: {  	_ =	shalt  }
0x52: {  	_ =	shalt  }
0x53: {  	_ =	shalt  }
0x54: {  	_ =	shalt  }
0x55: {  	_ =	shalt  }
0x56: {  	_ =	shalt  }
0x57: {  	_ =	shalt  }
0x58: {  	_ =	shalt  }
0x59: {  	_ =	shalt  }
0x5a: {  	_ =	shalt  }
0x5b: {  	_ =	shalt  }
0x5c: {  	_ =	shalt  }
0x5d: {  	_ =	shalt  }
0x5e: {  	_ =	shalt  }
0x5f: {  	_ =	shalt  }
0x60: {  	_ =	shalt  }
0x61: {  	_ =	shalt  }
0x62: {  	_ =	shalt  }
0x63: {  	_ =	shalt  }
0x64: {  	_ =	shalt  }
0x65: {  	_ =	shalt  }
0x66: {  	_ =	shalt  }
0x67: {  	_ =	shalt  }
0x68: {  	_ =	shalt  }
0x69: {  	_ =	shalt  }
0x6a: {  	_ =	shalt  }
0x6b: {  	_ =	shalt  }
0x6c: {  	_ =	shalt  }
0x6d: {  	_ =	shalt  }
0x6e: {  	_ =	shalt  }
0x6f: {  	_ =	shalt  }
0x70: {  	_ =	shalt  }
0x71: {  	_ =	shalt  }
0x72: {  	_ =	shalt  }
0x73: {  	_ =	shalt  }
0x74: {  	_ =	shalt  }
0x75: {  	_ =	shalt  }
0x76: {  	_ =	shalt  }
0x77: {  	_ =	shalt  }
0x78: {  	_ =	shalt  }
0x79: {  	_ =	shalt  }
0x7a: {  	_ =	shalt  }
0x7b: {  	_ =	shalt  }
0x7c: {  	_ =	shalt  }
0x7d: {  	_ =	shalt  }
0x7e: {  	_ =	shalt  }
0x7f: {  	_ =	shalt  }
0x80: {  	_ =	shalt  }
0x81: {  	_ =	shalt  }
0x82: {  	_ =	shalt  }
0x83: {  	_ =	shalt  }
0x84: {  	_ =	shalt  }
0x85: {  	_ =	shalt  }
0x86: {  	_ =	shalt  }
0x87: {  	_ =	shalt  }
.Lfunc_end0:
.L_simem_size_0:
called_computation_lowered:
.L_overlay_start_0:
0x88: {  	s2 =	sld [smem:$0x3FD9]  }
0x89: {  	s3 =	sld [smem:$0x3FFE];
	_ =	sdelay $0x1  }
0x8a: {  	s1 =	srdreg.scid  }
0x8b: {  	s0 =	sand.u32 $0x1, s1  }
0x8c: {  	s16 =	sshll.u32 s0, $0xA;
	s2 =	sadd.s32 s3, s2  }
0x8d: {  	s2 =	sadd.s32 s2, s16  }
0x8e: {  	[smem:$0x3FC5] =	sst s2  }
0x8f: {  	_ = 	snop  }
0x90: {  	(tm) =	ssettm $0x1  }
0x91: {  	s17 =	sld [smem:$0x3FFB];
	_ =	sdelay $0x3  }
0x92: {  	_ =	strace s17  }
0x93: {  	s2 =	sld [smem:$0x3FFC];
	_ =	sdelay $0x3  }
0x94: {  	_ =	strace s2  }
0x95: {  	s2 =	sld [smem:$0x3FFD];
	_ =	sdelay $0x3  }
0x96: {  	_ =	strace s2  }
0x97: {  	_ =	strace $0x8FFFFFFF  }
0x98: {  	s18 =	sld [smem:$0x3FDB];
	_ =	sdelay $0x1  }
0x99: {  	s19 =	simm.s32 $_scs_section_size  }
0x9a: {  	s4 =	simm.s32 $_size__tile_overlayer_lowered;
	s5 =	simm.s32 $_tile_overlayer_lowered  }
0x9b: {  	s22 =	simm.s32 $0x1BFF;
	s21 =	sshll.u32 s5, $0x1;
	s2 =	sadd.s32 s19, s18  }
0x9c: {  	s6 =	simm.s32 $0x0;
	s20 =	sshll.u32 s4, $0x1;
	s4 =	sadd.s32 s21, s2  }
0x9d: {  	[timem:s6], [sflag:s22] =	dma.local [hbm:s4], s20  }
0x9e: {  	_ =	swait.ge [sflag:s22], s20  }
0x9f: {  	s3 =	ssub.s32 $0x0, s20;
	[sflag:s22] =	ssyncset.done $0x0  }
0xa0: {  	[sflag:s22] =	ssyncadd.s32 s3;
	_ =	sdelay $0x1  }
0xa1: {  	s23 =	simm.s32 $0x1B8B  }
0xa2: {  	_ =	swait.ge [sflag:s23], $0x1  }
0xa3: {  	[sflag:s23] =	ssyncset.done $0x0  }
0xa4: {  	s25 =	simm.s32 $0x1B8E;
	s24 =	sld [smem:$0x3FFE];
	[sflag:s23] =	ssyncadd.s32 $0xFFFFFFFF  }
0xa5: {  	s26 =	simm.s32 $execute0_lowered;
	[smem:$0x3FD2] =	sst s25  }
0xa6: {  	s4 =	sshll.u32 s26, $0x1;
	_ =	strace $0x80000046;
	[dreg:$0x1] =	wrdreg $0xFFFFFFFF  }
0xa7: {  	s28 =	simm.s32 $_size_execute0_lowered;
	s2 =	sadd.s32 s2, s4;
	[dreg:$0x0] =	wrdreg $0x0  }
0xa8: {  	s4 =	sshll.u32 s28, $0x1;
	[dreg:$0x2] =	wrdreg s2  }
0xa9: {  	[dreg:$0x3] =	wrdreg s4  }
0xaa: {  	[dreg:$0x4] =	wrdreg $0xC0  }
0xab: {  	_ =	task [dreg:s6], $0x5FFFF  }
0xac: {  	[dreg:$0x1] =	wrdreg $0xFFFFFFFF  }
0xad: {  	[dreg:$0x0] =	wrdreg $0x60  }
0xae: {  	[dreg:$0x2] =	wrdreg s24  }
0xaf: {  	[dreg:$0x3] =	wrdreg $0x9  }
0xb0: {  	_ =	task.clear_ibuf [dreg:s6], $0x4FFFF;
	_ =	strace $0x90000046  }
0xb1: {  	s29 =	simm.s32 $0x9;
	_ =	strace $0x80000048  }
0xb2: {  	_ =	swait.ge [sflag:s29], $0x1  }
0xb3: {  	[sflag:s29] =	ssyncadd.s32 $0xFFFFFFFF  }
0xb4: {  	_ =	strace $0x90000048  }
0xb5: {  	_ =	sfence  }
0xb6: {  	s30 =	sld [smem:$0x0];
	_ =	sdelay $0x2  }
0xb7: {  	s31 =	sshll.u32 s1, $0xD;
	s1 =	sshrl.u32 s1, $0x2  }
0xb8: {  	s3 =	sand.u32 $0x4000, s31;
	s1 =	sadd.s32 s1, s30  }
0xb9: {  	s0 =	sor.u32 s3, s0;
	s1 =	sshll.u32 s1, $0x11  }
0xba: {  	s0 =	sor.u32 s1, s0  }
0xbb: {  	s0 =	sadd.s32 $0x8F2B, s0  }
0xbc: {  	[sflag:s0] =	ssyncadd.remote.s32 $0x1  }
0xbd: {  	_ =	sfence.sel $0xFFFF  }
0xbe: {  	[dreg:$0x0] =	wrdreg $0xFFFFFFFF;
	(pc) =	sbr.abs _section_cstart, $3  }
0xbf: {  	[dreg:$0x1] =	wrdreg $0xFFFFFFFF  }
0xc0: {  	_ =	task.clear_ibuf [dreg:s6], $0x2FFFF;
	_ =	strace $0x9FFFFFFF  }
0xc1: {  	(tm) =	ssettm $0x7FFFFFFF  }
tec
execute0_lowered:
.L_overlay_start_1:
0x0: {  	(tag) =	ssettag $0x1  }
0x1: {  	s1 =	srdreg.scid  }
0x2: {  	s0 =	stileid.u32;
	s14 =	sand.u32 $0x1, s1  }
0x3: {  	s5 =	rddreg [dreg:$0x0];
	s3 =	sshll.u32 s0, $0x7;
	s4 =	sshll.u32 s14, $0x6  }
0x4: {  	s2 =	simm.s32 $0x0;
	s1 =	rddreg [dreg:$0x1];
	s3 =	sor.u32 s4, s3  }
0x5: {  	[smem:$0x7FF] =	sst s2;
	s15 =	sadd.s32 s3, s5  }
0x6: {  	_ =	strace $0x80000047;
	s3 =	simm.s32 $0x2;
	s4 =	sadd.s32 $0x3F4A00, s15  }
0x7: {  	[tilespmem:s2], [sflag:$0x2] =	stream.linear.gather [hbm4b:s4+s2], $0x200, $0x38;
	[tilespmem:$0x400] =	vst v63  }
0x8: {  	_ =	swait.ge [sflag:s3], $0x200  }
0x9: {  	s6 =	simm.s32 $0x80;
	[sflag:s3] =	ssyncset.done $0x0  }
0xa: {  	s7 =	simm.s32 $0x200;
	s5 =	sadd.s32 $0x200A00, s5;
	[sflag:s3] =	ssyncadd.s32 $0xFFFFFE00  }
0xb: {  	[tilespmem:s7], [sflag:$0x1] =	stream.indirect.gather [hbm4b:s5+s6], $0x1, s2, s6, $0xb8;
	[tilespmem:$0x400] =	vst v63  }
0xc: {  	s8 =	simm.s32 $0x280  }
0xd: {  	[tilespmem:s8], [sflag:$0x1] =	stream.indirect.gather [hbm4b:s5+s6], $0x1, s6, s6, $0xb8;
	[tilespmem:$0x400] =	vst v63  }
0xe: {  	s9 =	simm.s32 $0x100;
	s10 =	simm.s32 $0x300  }
0xf: {  	[tilespmem:s10], [sflag:$0x1] =	stream.indirect.gather [hbm4b:s5+s6], $0x1, s9, s6, $0xb8;
	[tilespmem:$0x400] =	vst v63  }
0x10: {  	s11 =	simm.s32 $0x180;
	s12 =	simm.s32 $0x380;
	s13 =	simm.s32 $0x1  }
0x11: {  	[tilespmem:s12], [sflag:$0x1] =	stream.indirect.gather [hbm4b:s5+s6], $0x1, s11, s6, $0xb8;
	[tilespmem:$0x400] =	vst v63  }
0x12: {  	_ =	swait.ge [sflag:s13], $0x80  }
0x13: {  	[sflag:s13] =	ssyncset.done $0x0  }
0x14: {  	[sflag:s13] =	ssyncadd.s32 $0xFFFFFF80  }
0x15: {  	_ =	swait.ge [sflag:s13], $0x80  }
0x16: {  	[sflag:s13] =	ssyncset.done $0x0  }
0x17: {  	s14 =	ssub.s32 $0x2, s14;
	[sflag:s13] =	ssyncadd.s32 $0xFFFFFF80  }
0x18: {  	s16 =	sshrl.u32 s14, $0x1;
	_ =	swait.ge [sflag:s13], $0x80  }
0x19: {  	s16 =	ssub.s32 s14, s16;
	[sflag:s13] =	ssyncset.done $0x0  }
0x1a: {  	s31 =	smax.u32 s16, $0x1;
	[sflag:s13] =	ssyncadd.s32 $0xFFFFFF80  }
0x1b: {  	p0 =	sne.s32 s31, $0x1;
	_ =	swait.ge [sflag:s13], $0x80  }
.Ltmp0:
0x1c: {  	[sflag:s13] =	ssyncset.done $0x0;
	(pc) =	sbr.rel @!p0 .LBB2_2-.Ltmp0, $4  }
0x1d: {  	s14 =	sadd.s32 $0x3F5200, s15;
	[sflag:s13] =	ssyncadd.s32 $0xFFFFFF80  }
0x1e: {  	[hbm4b:s14+s2] =	stream.linear.scatter [tilespmem:s7], [sflag:$0x2], $0x200, $0x38;
	[tilespmem:$0x400] =	vst v63  }
0x1f: {  	_ =	swait.ge [sflag:s3], $0x200  }
0x20: {  	s15 =	sadd.s32 $0xFFFFFFFF, s31;
	[sflag:s3] =	ssyncset.done $0x0  }
.LBB2_1:
0x21: {  	p0 =	sne.s32 s15, $0x1;
	s15 =	sadd.s32 $0xFFFFFFFF, s15;
	[sflag:s3] =	ssyncadd.s32 $0xFFFFFE00  }
0x22: {  	[tilespmem:s2], [sflag:$0x2] =	stream.linear.gather [hbm4b:s4+s2], $0x200, $0x38;
	[tilespmem:$0x400] =	vst v63  }
0x23: {  	_ =	swait.ge [sflag:s3], $0x200  }
0x24: {  	[sflag:s3] =	ssyncset.done $0x0  }
0x25: {  	[sflag:s3] =	ssyncadd.s32 $0xFFFFFE00  }
0x26: {  	[tilespmem:s7], [sflag:$0x1] =	stream.indirect.gather [hbm4b:s5+s6], $0x1, s2, s6, $0xb8;
	[tilespmem:$0x400] =	vst v63  }
0x27: {  	_ = 	snop  }
0x28: {  	[tilespmem:s8], [sflag:$0x1] =	stream.indirect.gather [hbm4b:s5+s6], $0x1, s6, s6, $0xb8;
	[tilespmem:$0x400] =	vst v63  }
0x29: {  	_ = 	snop  }
0x2a: {  	[tilespmem:s10], [sflag:$0x1] =	stream.indirect.gather [hbm4b:s5+s6], $0x1, s9, s6, $0xb8;
	[tilespmem:$0x400] =	vst v63  }
0x2b: {  	_ = 	snop  }
0x2c: {  	[tilespmem:s12], [sflag:$0x1] =	stream.indirect.gather [hbm4b:s5+s6], $0x1, s11, s6, $0xb8;
	[tilespmem:$0x400] =	vst v63  }
0x2d: {  	_ =	swait.ge [sflag:s13], $0x80  }
0x2e: {  	[sflag:s13] =	ssyncset.done $0x0  }
0x2f: {  	[sflag:s13] =	ssyncadd.s32 $0xFFFFFF80  }
0x30: {  	_ =	swait.ge [sflag:s13], $0x80  }
0x31: {  	[sflag:s13] =	ssyncset.done $0x0  }
0x32: {  	[sflag:s13] =	ssyncadd.s32 $0xFFFFFF80  }
0x33: {  	_ =	swait.ge [sflag:s13], $0x80  }
0x34: {  	[sflag:s13] =	ssyncset.done $0x0  }
0x35: {  	[sflag:s13] =	ssyncadd.s32 $0xFFFFFF80  }
0x36: {  	_ =	swait.ge [sflag:s13], $0x80  }
.Ltmp1:
0x37: {  	[sflag:s13] =	ssyncset.done $0x0;
	(pc) =	sbr.rel @p0 .LBB2_1-.Ltmp1, $4  }
0x38: {  	[sflag:s13] =	ssyncadd.s32 $0xFFFFFF80  }
0x39: {  	[hbm4b:s14+s2] =	stream.linear.scatter [tilespmem:s7], [sflag:$0x2], $0x200, $0x38;
	[tilespmem:$0x400] =	vst v63  }
0x3a: {  	_ =	swait.ge [sflag:s3], $0x200  }
0x3b: {  	[sflag:s3] =	ssyncset.done $0x0  }
.LBB2_2:
0x3c: {  	[sflag:s3] =	ssyncadd.s32 $0xFFFFFE00  }
0x3d: {  	_ =	sfence.sel $0x180000  }
0x3e: {  	[bflag:$0x0] =	sbarrier.arrive $0xFFFF  }
0x3f: {  	p0 =	sne.s32 s0, $0x0;
	_ =	strace $0x90000047  }
0x40: {  	s0 =	sadd.s32 @!p0 $0x100000, s1;
	[bflag:$0x2] =	sbarrier.arrive $0xFFFF  }
0x41: {  	[sflag:s0] =	ssyncadd.tile.s32 @!p0 $0x1;
	_ =	shalt  }
.Lfunc_end2:
_tile_overlayer_lowered:
.L_overlay_start_2:
0x42: {  	(tag) =	ssettag $0x2  }
0x43: {  	s0 =	rddreg [dreg:$0x0];
	s2 =	stileid.u32  }
0x44: {  	s1 =	rddreg [dreg:$0x1];
	p0 =	sne.s32 s2, $0x0  }
0x45: {  	s3 =	rddreg [dreg:$0x2];
	[bflag:$0x3] =	sbarrier.arrive $0xFFFF;
	s2 =	simm.s32 @!p0 $0x1C02  }
0x46: {  	[timem:s3], [sflag:s2] =	dma.local @!p0 [hbm:s0], s1  }
0x47: {  	s0 =	simm.s32 @!p0 $0x2  }
0x48: {  	_ =	swait.ge @!p0 [sflag:s0], s1  }
0x49: {  	s1 =	ssub.s32 @!p0 $0x0, s1;
	[sflag:s0] =	ssyncset.done @!p0 $0x0  }
0x4a: {  	[sflag:s0] =	ssyncadd.s32 @!p0 s1  }
0x4b: {  	[bflag:$0x3] =	sbarrier.arrive $0xFFFF  }
0x4c: {  	_ =	shalt  }

</sc_bundles>
